<compile_context>
chip_gen: v7x
topology: tpu7x:2x2x1
jax: 0.10.2.dev20260603
libtpu: 0.0.44.dev20260713+nightly
codegen_flags: <defaults>
</compile_context>

<pallas_src>
import functools

import jax
import jax.numpy as jnp
from jax import lax
from jax.experimental import pallas as pl
from jax.experimental.pallas import tpu as pltpu
from jax.experimental.pallas import tpu_sc as plsc

_IN_CH = 128
_N_NODES = 10000
_N_PAD = 10240
_N_BLK = 5120
_N_GRID = _N_PAD // _N_BLK
_N_EDGES = 320000

_NC = 2
_NS = 16
_NW = _NC * _NS
_L = 16
_E_PER = _N_EDGES // _NW


def _tc_body(x_ref, w_ref, b_ref, fw_ref, fb_ref, ap_ref):
    fw1 = fw_ref[:, :_IN_CH]
    fw2 = fw_ref[:, _IN_CH:]
    v = jnp.concatenate([fw1 + fw2, fw2 - fw1], axis=0)
    vpad = jnp.concatenate([v, jnp.zeros((6, _IN_CH), jnp.float32)], axis=0)
    u = jnp.dot(vpad, w_ref[...], preferred_element_type=jnp.float32,
                precision=lax.Precision.HIGHEST)
    ap = lax.dot_general(u, x_ref[...], (((1,), (1,)), ((), ())),
                         preferred_element_type=jnp.float32)
    c = jnp.sum(b_ref[...] * (fw2 + fw2)) + fb_ref[0, 0]
    row = lax.broadcasted_iota(jnp.int32, (2, 1), 0)
    ap_ref[...] = ap[:2, :] + jnp.where(row == 0, c, 0.0)


_tc_stage = pl.pallas_call(
    _tc_body,
    grid=(_N_GRID,),
    in_specs=[
        pl.BlockSpec((_N_BLK, _IN_CH), lambda i: (i, 0)),
        pl.BlockSpec((_IN_CH, _IN_CH), lambda i: (0, 0)),
        pl.BlockSpec((1, _IN_CH), lambda i: (0, 0)),
        pl.BlockSpec((1, 2 * _IN_CH), lambda i: (0, 0)),
        pl.BlockSpec((1, 1), lambda i: (0, 0)),
    ],
    out_specs=pl.BlockSpec((2, _N_BLK), lambda i: (0, i)),
    out_shape=jax.ShapeDtypeStruct((2, _N_PAD), jnp.float32),
)


_WIN = 10240


def _sc_body(ap_hbm, ei_hbm, out_hbm,
             ap_v, ei_v, out_v, sem):
    wid = lax.axis_index("s") * _NC + lax.axis_index("c")
    base = wid * _E_PER
    win = pl.multiple_of((base // 128) * 128, 128)
    off = base - win
    c1 = pltpu.async_copy(ap_hbm, ap_v, sem)
    c2 = pltpu.async_copy(ei_hbm.at[:, pl.ds(win, _WIN)], ei_v, sem)
    c1.wait()
    c2.wait()

    @plsc.parallel_loop(0, _E_PER, step=_L, unroll=4)
    def _(i):
        zero = jnp.zeros((_L,), jnp.int32)
        av = plsc.load_gather(ap_v, [zero, ei_v[0, pl.ds(off + i, _L)]])
        pv = plsc.load_gather(ap_v, [zero + 1, ei_v[1, pl.ds(off + i, _L)]])
        t = av + pv
        e = jnp.exp(t + t)
        out_v[pl.ds(i, _L)] = 1.0 - 2.0 / (e + 1.0)

    pltpu.sync_copy(out_v, out_hbm.at[pl.ds(base, _E_PER)])


def _make_sc_stage():
    return functools.partial(
        pl.kernel,
        mesh=plsc.VectorSubcoreMesh(core_axis_name="c", subcore_axis_name="s"),
        out_type=jax.ShapeDtypeStruct((_N_EDGES,), jnp.float32),
        compiler_params=pltpu.CompilerParams(needs_layout_passes=False),
        scratch_types=[
            pltpu.VMEM((2, _N_PAD), jnp.float32),
            pltpu.VMEM((2, _WIN), jnp.int32),
            pltpu.VMEM((_E_PER,), jnp.float32),
            pltpu.SemaphoreType.DMA,
        ],
    )(_sc_body)


def kernel(x, edge_index, W, b, FW, Fb):
    ei = edge_index.astype(jnp.int32)
    ap = _tc_stage(x, W, b.reshape(1, _IN_CH), FW, Fb.reshape(1, 1))
    return _make_sc_stage()(ap, ei)

# --- scband reference (transcript-rebuilt; emitter-appended) ---
"""Pipeline reference for scband-edge-labelling-54348516164305 (READ-ONLY COPY).

The authoritative reference and input builder live on the scoring server;
editing this copy changes nothing except your own understanding.
"""

import jax, jax.numpy as jnp
import numpy as np

IN_CH = 128
OUT_CH = 128
N_NODES = 10000
N_EDGES = 320000


def setup_inputs(seed: int = 0) -> dict:
    key = jax.random.key(seed)
    k1, k2, k3, k4, k5, k6 = jax.random.split(key, 6)
    x = jax.random.normal(k1, (N_NODES, IN_CH), dtype=jnp.float32)
    edge_index = jax.random.randint(k2, (2, N_EDGES), 0, N_NODES, dtype=jnp.int64)
    lim1 = 1.0 / np.sqrt(IN_CH)
    W = jax.random.uniform(k3, (OUT_CH, IN_CH), dtype=jnp.float32, minval=-lim1, maxval=lim1)
    b = jax.random.uniform(k4, (OUT_CH,), dtype=jnp.float32, minval=-lim1, maxval=lim1)
    lim2 = 1.0 / np.sqrt(2 * OUT_CH)
    FW = jax.random.uniform(k5, (1, 2 * OUT_CH), dtype=jnp.float32, minval=-lim2, maxval=lim2)
    Fb = jax.random.uniform(k6, (1,), dtype=jnp.float32, minval=-lim2, maxval=lim2)
    return {"x": x, "edge_index": edge_index, "W": W, "b": b, "FW": FW, "Fb": Fb}


def reference(x, edge_index, W, b, FW, Fb):
    src = edge_index[0]
    dst = edge_index[1]
    # gather node features per edge endpoint
    f_src = jnp.take(x, src, axis=0)
    f_dst = jnp.take(x, dst, axis=0)
    # shared linear projection
    h_src = f_src @ W.T + b
    h_dst = f_dst @ W.T + b
    # edge features: [src - dst, src + dst]
    eFeats = jnp.concatenate([h_src - h_dst, h_src + h_dst], axis=1)
    # dropout with p=0.0 (eval) is identity
    out = eFeats @ FW.T + Fb
    out = jnp.squeeze(out, axis=-1)
    out = jnp.tanh(out)
    return out

if __name__ == "__main__":
    import jax
    _d = setup_inputs()
    print(jax.jit(kernel)(*tuple(_d.values())))

</pallas_src>

<mosaic_0001>
#map = affine_map<(d0, d1) -> (0, 0)>
#map1 = affine_map<(d0, d1) -> (0)>
module attributes {stable_mosaic.version = 14 : i64} {
  func.func @_sc_body(%arg0: i32, %arg1: i32, %arg2: memref<2x10240xf32, #tpu.memory_space<hbm>>, %arg3: memref<2x320000xi32, #tpu.memory_space<hbm>>, %arg4: memref<320000xf32, #tpu.memory_space<hbm>>, %arg5: memref<2x10240xf32, #tpu.memory_space<vmem>>, %arg6: memref<2x10240xi32, #tpu.memory_space<vmem>>, %arg7: memref<10000xf32, #tpu.memory_space<vmem>>, %arg8: memref<!tpu.dma_semaphore, #tpu.memory_space<semaphore_mem>>) attributes {dimension_semantics = [#tpu.dimension_semantics<core_parallel>, #tpu.dimension_semantics<subcore_parallel>], iteration_bounds = array<i64: 2, 16>, scalar_prefetch = 0 : i64, scratch_operands = 4 : i64, tpu.core_type = #tpu.core_type<sc_vector_subcore>, window_params = [{transform_indices = #map}, {transform_indices = #map}, {transform_indices = #map1}]} {
    %mul3A = arith.constant 2 : i32
    %mul3A_0 = arith.muli %arg1, %mul3A : i32
    %add3A = arith.addi %mul3A_0, %arg0 : i32
    %mul3A_1 = arith.constant 10000 : i32
    %mul3A_2 = arith.muli %add3A, %mul3A_1 : i32
    %jit3A = arith.constant 128 : i32
    %div3A = arith.divsi %mul3A_2, %jit3A : i32
    %sign3A = arith.constant 0 : i32
    %sign3A_3 = arith.cmpi sgt, %mul3A_2, %sign3A : i32
    %sign3A_4 = arith.extui %sign3A_3 : i1 to i32
    %sign3A_5 = arith.constant 0 : i32
    %sign3A_6 = arith.cmpi slt, %mul3A_2, %sign3A_5 : i32
    %sign3A_7 = arith.extui %sign3A_6 : i1 to i32
    %sign3A_8 = arith.subi %sign3A_4, %sign3A_7 : i32
    %sign3A_9 = arith.constant 0 : i32
    %sign3A_10 = arith.cmpi sgt, %jit3A, %sign3A_9 : i32
    %sign3A_11 = arith.extui %sign3A_10 : i1 to i32
    %sign3A_12 = arith.constant 0 : i32
    %sign3A_13 = arith.cmpi slt, %jit3A, %sign3A_12 : i32
    %sign3A_14 = arith.extui %sign3A_13 : i1 to i32
    %sign3A_15 = arith.subi %sign3A_11, %sign3A_14 : i32
    %ne3A = arith.cmpi ne, %sign3A_8, %sign3A_15 : i32
    %rem3A = arith.remsi %mul3A_2, %jit3A : i32
    %ne3A_16 = arith.constant 0 : i32
    %ne3A_17 = arith.cmpi ne, %rem3A, %ne3A_16 : i32
    %and3A = arith.andi %ne3A, %ne3A_17 : i1
    %sub3A = arith.constant 1 : i32
    %sub3A_18 = arith.subi %div3A, %sub3A : i32
    %select_n3A = arith.select %and3A, %sub3A_18, %div3A : i32
    %mul3A_19 = arith.constant 128 : i32
    %mul3A_20 = arith.muli %select_n3A, %mul3A_19 : i32
    %multiple_of3A = tpu.assume_multiple %mul3A_20, 128 : i32
    %sub3A_21 = arith.subi %mul3A_2, %multiple_of3A : i32
    tpu.enqueue_dma source(%arg2 : memref<2x10240xf32, #tpu.memory_space<hbm>>) target(%arg5 : memref<2x10240xf32, #tpu.memory_space<vmem>>) target_semaphore(%arg8 : memref<!tpu.dma_semaphore, #tpu.memory_space<semaphore_mem>>)
    %dma_start3A = arith.constant 0 : i32
    %dma_start3A_22 = tpu.memref_slice %arg3[%dma_start3A, %multiple_of3A] : memref<2x320000xi32, #tpu.memory_space<hbm>> -> memref<2x10240xi32, #tpu.memory_space<hbm>>
    %dma_start3A_23 = arith.constant 0 : i32
    %dma_start3A_24 = tpu.memref_slice %arg3[%dma_start3A_23, %multiple_of3A] : memref<2x320000xi32, #tpu.memory_space<hbm>> -> memref<2x10240xi32, #tpu.memory_space<hbm>>
    tpu.enqueue_dma source(%dma_start3A_24 : memref<2x10240xi32, #tpu.memory_space<hbm>>) target(%arg6 : memref<2x10240xi32, #tpu.memory_space<vmem>>) target_semaphore(%arg8 : memref<!tpu.dma_semaphore, #tpu.memory_space<semaphore_mem>>)
    tpu.wait_dma2 semaphore(%arg8 : memref<!tpu.dma_semaphore, #tpu.memory_space<semaphore_mem>>) src(%arg2 : memref<2x10240xf32, #tpu.memory_space<hbm>>) dst(%arg5 : memref<2x10240xf32, #tpu.memory_space<vmem>>)
    %dma_wait3A = arith.constant 0 : i32
    %dma_wait3A_25 = tpu.memref_slice %arg3[%dma_wait3A, %multiple_of3A] : memref<2x320000xi32, #tpu.memory_space<hbm>> -> memref<2x10240xi32, #tpu.memory_space<hbm>>
    %dma_wait3A_26 = arith.constant 0 : i32
    %dma_wait3A_27 = tpu.memref_slice %arg3[%dma_wait3A_26, %multiple_of3A] : memref<2x320000xi32, #tpu.memory_space<hbm>> -> memref<2x10240xi32, #tpu.memory_space<hbm>>
    tpu.wait_dma2 semaphore(%arg8 : memref<!tpu.dma_semaphore, #tpu.memory_space<semaphore_mem>>) src(%dma_wait3A_27 : memref<2x10240xi32, #tpu.memory_space<hbm>>) dst(%arg6 : memref<2x10240xi32, #tpu.memory_space<vmem>>)
    %parallel_loop3A = arith.constant 0 : i32
    %parallel_loop3A_28 = arith.constant 10000 : i32
    %parallel_loop3A_29 = arith.constant 16 : i32
    scf.for %parallel_loop3A_30 = %parallel_loop3A to %parallel_loop3A_28 step %parallel_loop3A_29  : i32 {
      %parallel_loop3A_31 = arith.constant 0 : i32
      %parallel_loop3A_32 = vector.broadcast %parallel_loop3A_31 : i32 to vector<16xi32>
      %parallel_loop3A_33 = arith.addi %sub3A_21, %parallel_loop3A_30 : i32
      %parallel_loop3A_34 = arith.constant 0 : i32
      %parallel_loop3A_35 = arith.index_cast %parallel_loop3A_34 : i32 to index
      %parallel_loop3A_36 = arith.index_cast %parallel_loop3A_33 : i32 to index
      %parallel_loop3A_37 = tpu.vector_load %arg6[%parallel_loop3A_35, %parallel_loop3A_36] {strides = array<i32>} : memref<2x10240xi32, #tpu.memory_space<vmem>>, vector<16xi32>,
      %parallel_loop3A_38 = tpu.vector_load_idx %arg5[%parallel_loop3A_32, %parallel_loop3A_37] : memref<2x10240xf32, #tpu.memory_space<vmem>>[vector<16xi32>, vector<16xi32>], vector<16xf32>,
      %parallel_loop3A_39 = arith.constant 1 : i32
      %parallel_loop3A_40 = vector.broadcast %parallel_loop3A_39 : i32 to vector<16xi32>
      %parallel_loop3A_41 = arith.addi %parallel_loop3A_32, %parallel_loop3A_40 : vector<16xi32>
      %parallel_loop3A_42 = arith.addi %sub3A_21, %parallel_loop3A_30 : i32
      %parallel_loop3A_43 = arith.constant 1 : i32
      %parallel_loop3A_44 = arith.index_cast %parallel_loop3A_43 : i32 to index
      %parallel_loop3A_45 = arith.index_cast %parallel_loop3A_42 : i32 to index
      %parallel_loop3A_46 = tpu.vector_load %arg6[%parallel_loop3A_44, %parallel_loop3A_45] {strides = array<i32>} : memref<2x10240xi32, #tpu.memory_space<vmem>>, vector<16xi32>,
      %parallel_loop3A_47 = tpu.vector_load_idx %arg5[%parallel_loop3A_41, %parallel_loop3A_46] : memref<2x10240xf32, #tpu.memory_space<vmem>>[vector<16xi32>, vector<16xi32>], vector<16xf32>,
      %parallel_loop3A_48 = arith.addf %parallel_loop3A_38, %parallel_loop3A_47 : vector<16xf32>
      %parallel_loop3A_49 = arith.addf %parallel_loop3A_48, %parallel_loop3A_48 : vector<16xf32>
      %parallel_loop3A_50 = math.exp %parallel_loop3A_49 : vector<16xf32>
      %parallel_loop3A_51 = arith.constant 1.000000e+00 : f32
      %parallel_loop3A_52 = vector.broadcast %parallel_loop3A_51 : f32 to vector<16xf32>
      %parallel_loop3A_53 = arith.addf %parallel_loop3A_50, %parallel_loop3A_52 : vector<16xf32>
      %parallel_loop3A_54 = arith.constant 2.000000e+00 : f32
      %parallel_loop3A_55 = vector.broadcast %parallel_loop3A_54 : f32 to vector<16xf32>
      %parallel_loop3A_56 = arith.divf %parallel_loop3A_55, %parallel_loop3A_53 : vector<16xf32>
      %parallel_loop3A_57 = arith.constant 1.000000e+00 : f32
      %parallel_loop3A_58 = vector.broadcast %parallel_loop3A_57 : f32 to vector<16xf32>
      %parallel_loop3A_59 = arith.subf %parallel_loop3A_58, %parallel_loop3A_56 : vector<16xf32>
      %parallel_loop3A_60 = arith.index_cast %parallel_loop3A_30 : i32 to index
      %parallel_loop3A_61 = tpu.vector_load %arg7[%parallel_loop3A_60] {strides = array<i32>} : memref<10000xf32, #tpu.memory_space<vmem>>, vector<16xf32>,
      tpu.vector_store %arg7[%parallel_loop3A_60], %parallel_loop3A_59 {strides = array<i32>} : memref<10000xf32, #tpu.memory_space<vmem>>, vector<16xf32>,
    } {sc.loop_unroll_factor = 4 : i64, sc.parallel_access}
    "tpu.region"() ({
      %run_scoped3A = tpu.sem_alloc : memref<!tpu.dma_semaphore, #tpu.memory_space<semaphore_mem>>
      %dma_start3A_30 = tpu.memref_slice %arg4[%mul3A_2] : memref<320000xf32, #tpu.memory_space<hbm>> -> memref<10000xf32, #tpu.memory_space<hbm>>
      %dma_start3A_31 = tpu.memref_slice %arg4[%mul3A_2] : memref<320000xf32, #tpu.memory_space<hbm>> -> memref<10000xf32, #tpu.memory_space<hbm>>
      tpu.enqueue_dma source(%arg7 : memref<10000xf32, #tpu.memory_space<vmem>>) target(%dma_start3A_31 : memref<10000xf32, #tpu.memory_space<hbm>>) target_semaphore(%run_scoped3A : memref<!tpu.dma_semaphore, #tpu.memory_space<semaphore_mem>>)
      %dma_wait3A_32 = tpu.memref_slice %arg4[%mul3A_2] : memref<320000xf32, #tpu.memory_space<hbm>> -> memref<10000xf32, #tpu.memory_space<hbm>>
      %dma_wait3A_33 = tpu.memref_slice %arg4[%mul3A_2] : memref<320000xf32, #tpu.memory_space<hbm>> -> memref<10000xf32, #tpu.memory_space<hbm>>
      tpu.wait_dma2 semaphore(%run_scoped3A : memref<!tpu.dma_semaphore, #tpu.memory_space<semaphore_mem>>) src(%arg7 : memref<10000xf32, #tpu.memory_space<vmem>>) dst(%dma_wait3A_33 : memref<10000xf32, #tpu.memory_space<hbm>>)
      tpu.yield
    }) : () -> ()
    return
  }
}

module attributes {stable_mosaic.version = 14 : i64} {
  func.func @_tc_body(%arg0: i32, %arg1: memref<5120x128xf32, #tpu.memory_space<vmem>>, %arg2: memref<128x128xf32, #tpu.memory_space<vmem>>, %arg3: memref<1x128xf32, #tpu.memory_space<vmem>>, %arg4: memref<1x256xf32, #tpu.memory_space<vmem>>, %arg5: memref<1x1xf32, #tpu.memory_space<vmem>>, %arg6: memref<2x5120xf32, #tpu.memory_space<vmem>>) attributes {dimension_semantics = [#tpu.dimension_semantics<arbitrary>], iteration_bounds = array<i64: 2>, scalar_prefetch = 0 : i64, scratch_operands = 0 : i64, tpu.core_type = #tpu.core_type<tc>, window_params = [{transform_indices = @transform_0, window_bounds = array<i64: 5120, 128>}, {pipeline_mode = #tpu.pipeline_mode<synchronous>, transform_indices = @transform_1, window_bounds = array<i64: 128, 128>}, {pipeline_mode = #tpu.pipeline_mode<synchronous>, transform_indices = @transform_2, window_bounds = array<i64: 1, 128>}, {pipeline_mode = #tpu.pipeline_mode<synchronous>, transform_indices = @transform_3, window_bounds = array<i64: 1, 256>}, {pipeline_mode = #tpu.pipeline_mode<synchronous>, transform_indices = @transform_4, window_bounds = array<i64: 1, 1>}, {transform_indices = @transform_5, window_bounds = array<i64: 2, 5120>}]} {
    %get3A = arith.constant 0 : index
    %get3A_0 = arith.constant 0 : index
    %get3A_1 = vector.load %arg4[%get3A, %get3A_0] : memref<1x256xf32, #tpu.memory_space<vmem>>, vector<1x128xf32>
    %get3A_2 = arith.constant 0 : index
    %get3A_3 = arith.constant 128 : index
    %get3A_4 = vector.load %arg4[%get3A_2, %get3A_3] : memref<1x256xf32, #tpu.memory_space<vmem>>, vector<1x128xf32>
    %add3A = arith.addf %get3A_1, %get3A_4 : vector<1x128xf32>
    %sub3A = arith.subf %get3A_4, %get3A_1 : vector<1x128xf32>
    %concatenate3A = tpu.concatenate %add3A, %sub3A in 0 : vector<1x128xf32>, vector<1x128xf32> -> vector<2x128xf32>
    %broadcast_in_dim3A = arith.constant 0.000000e+00 : f32
    %broadcast_in_dim3A_5 = vector.broadcast %broadcast_in_dim3A : f32 to vector<6x128xf32>
    %concatenate3A_6 = tpu.concatenate %concatenate3A, %broadcast_in_dim3A_5 in 0 : vector<2x128xf32>, vector<6x128xf32> -> vector<8x128xf32>
    %get3A_7 = arith.constant 0 : index
    %get3A_8 = arith.constant 0 : index
    %get3A_9 = vector.load %arg2[%get3A_7, %get3A_8] : memref<128x128xf32, #tpu.memory_space<vmem>>, vector<128x128xf32>
    %dot_general3A = arith.constant dense<0.000000e+00> : vector<8x128xf32>
    %dot_general3A_10 = tpu.matmul %concatenate3A_6, %get3A_9, %dot_general3A {dimension_numbers = #tpu.dot_dimension_numbers<[1], [0], [0], [1], [0, 0, 1, 1], [], []>, precision = #tpu.contract_precision<fp32>, transpose_lhs_hint = false} : vector<8x128xf32>, vector<128x128xf32>, vector<8x128xf32> -> vector<8x128xf32>
    %get3A_11 = arith.constant 0 : index
    %get3A_12 = arith.constant 0 : index
    %get3A_13 = vector.load %arg1[%get3A_11, %get3A_12] : memref<5120x128xf32, #tpu.memory_space<vmem>>, vector<5120x128xf32>
    %dot_general3A_14 = arith.constant dense<0.000000e+00> : vector<8x5120xf32>
    %dot_general3A_15 = tpu.matmul %dot_general3A_10, %get3A_13, %dot_general3A_14 {dimension_numbers = #tpu.dot_dimension_numbers<[1], [1], [0], [0], [0, 0, 1, 0], [], []>, transpose_lhs_hint = false} : vector<8x128xf32>, vector<5120x128xf32>, vector<8x5120xf32> -> vector<8x5120xf32>
    %get3A_16 = arith.constant 0 : index
    %get3A_17 = arith.constant 0 : index
    %get3A_18 = vector.load %arg3[%get3A_16, %get3A_17] : memref<1x128xf32, #tpu.memory_space<vmem>>, vector<1x128xf32>
    %add3A_19 = arith.addf %get3A_4, %get3A_4 : vector<1x128xf32>
    %mul3A = arith.mulf %get3A_18, %add3A_19 : vector<1x128xf32>
    %reduce_sum3A = vector.shape_cast %mul3A : vector<1x128xf32> to vector<1x1x128xf32>
    %reduce_sum3A_20 = arith.constant dense<0.000000e+00> : vector<1xf32>
    %reduce_sum3A_21 = vector.multi_reduction <add>, %reduce_sum3A, %reduce_sum3A_20 [1, 2] : vector<1x1x128xf32> to vector<1xf32>
    %reduce_sum3A_22 = vector.shape_cast %reduce_sum3A_21 : vector<1xf32> to vector<1x1x1xf32>
    %reduce_sum3A_23 = vector.extract %reduce_sum3A_22[0, 0, 0] : f32 from vector<1x1x1xf32>
    %get3A_24 = arith.constant 0 : index
    %get3A_25 = arith.constant 0 : index
    %get3A_26 = vector.load %arg5[%get3A_24, %get3A_25] : memref<1x1xf32, #tpu.memory_space<vmem>>, vector<1x1xf32>
    %get3A_27 = vector.extract %get3A_26[0, 0] : f32 from vector<1x1xf32>
    %add3A_28 = arith.addf %reduce_sum3A_23, %get3A_27 : f32
    %iota3A = tpu.iota {dimensions = array<i32: 0>} : vector<2x1xi32>
    %slice3A = vector.extract_strided_slice %dot_general3A_15 {offsets = [0, 0], sizes = [2, 5120], strides = [1, 1]} : vector<8x5120xf32> to vector<2x5120xf32>
    %eq3A = arith.constant 0 : i32
    %eq3A_29 = vector.broadcast %eq3A : i32 to vector<2x1xi32>
    %eq3A_30 = arith.cmpi eq, %iota3A, %eq3A_29 : vector<2x1xi32>
    %jit3A = arith.constant 0.000000e+00 : f32
    %broadcast_in_dim3A_31 = vector.broadcast %add3A_28 : f32 to vector<2x1xf32>
    %broadcast_in_dim3A_32 = vector.broadcast %jit3A : f32 to vector<2x1xf32>
    %select_n3A = arith.select %eq3A_30, %broadcast_in_dim3A_31, %broadcast_in_dim3A_32 : vector<2x1xi1>, vector<2x1xf32>
    %add3A_33 = vector.broadcast %select_n3A : vector<2x1xf32> to vector<2x5120xf32>
    %add3A_34 = arith.addf %slice3A, %add3A_33 : vector<2x5120xf32>
    %swap3A = arith.constant 0 : index
    %swap3A_35 = arith.constant 0 : index
    %swap3A_36 = vector.load %arg6[%swap3A, %swap3A_35] : memref<2x5120xf32, #tpu.memory_space<vmem>>, vector<2x5120xf32>
    tpu.vector_store %arg6[%swap3A, %swap3A_35], %add3A_34 {strides = array<i32>} : memref<2x5120xf32, #tpu.memory_space<vmem>>, vector<2x5120xf32>,
    return
  }
  func.func @transform_0(%arg0: i32) -> (i32, i32) {
    %c0_i32 = arith.constant 0 : i32
    %c0_i32_0 = arith.constant 0 : i32
    return %arg0, %c0_i32 : i32, i32
  }
  func.func @transform_1(%arg0: i32) -> (i32, i32) {
    %c0_i32 = arith.constant 0 : i32
    %c0_i32_0 = arith.constant 0 : i32
    %c0_i32_1 = arith.constant 0 : i32
    return %c0_i32, %c0_i32_0 : i32, i32
  }
  func.func @transform_2(%arg0: i32) -> (i32, i32) {
    %c0_i32 = arith.constant 0 : i32
    %c0_i32_0 = arith.constant 0 : i32
    %c0_i32_1 = arith.constant 0 : i32
    return %c0_i32, %c0_i32_0 : i32, i32
  }
  func.func @transform_3(%arg0: i32) -> (i32, i32) {
    %c0_i32 = arith.constant 0 : i32
    %c0_i32_0 = arith.constant 0 : i32
    %c0_i32_1 = arith.constant 0 : i32
    return %c0_i32, %c0_i32_0 : i32, i32
  }
  func.func @transform_4(%arg0: i32) -> (i32, i32) {
    %c0_i32 = arith.constant 0 : i32
    %c0_i32_0 = arith.constant 0 : i32
    %c0_i32_1 = arith.constant 0 : i32
    return %c0_i32, %c0_i32_0 : i32, i32
  }
  func.func @transform_5(%arg0: i32) -> (i32, i32) {
    %c0_i32 = arith.constant 0 : i32
    %c0_i32_0 = arith.constant 0 : i32
    return %c0_i32, %arg0 : i32, i32
  }
}

</mosaic_0001>

<sc_bundles>
// kernel: kernel.4.cloned.1.call-start
scs
__scs_entry_jumppad:
0x0: {  	(pc) =	sbr.rel $0x88, $3  }
0x1: {  	(tag) =	ssettag $0x0;
	lr =	simm.s32 $0x1  }
0x2: {  	[smem:$0x3F9B] =	sst lr;
	_ =	strace $0xD0000000  }
0x3: {  	_ = 	snop  }
0x4: {  	_ = 	snop  }
0x5: {  	_ = 	snop  }
0x6: {  	_ = 	snop  }
0x7: {  	_ = 	snop  }
__scs_overlays_trampoline_lowered:
0x8: {  	[smem:$0x3FAA] =	sst s0  }
0x9: {  	[smem:$0x3FAB] =	sst s1  }
0xa: {  	[smem:$0x3FAC] =	sst s2  }
0xb: {  	[smem:$0x3FAD] =	sst s3  }
0xc: {  	[smem:$0x3FAE] =	sst s4  }
0xd: {  	[smem:$0x3FAF] =	sst s5  }
0xe: {  	[smem:$0x3FB0] =	sst s6  }
0xf: {  	[smem:$0x3FB1] =	sst s7  }
0x10: {  	[smem:$0x3FB2] =	sst s8  }
0x11: {  	[smem:$0x3FB3] =	sst s9;
	s0 =	simm.s32 @!p0 $0x0  }
0x12: {  	s1 =	sld [smem:$0x3F99];
	s0 =	simm.s32 @p0 $0x1  }
0x13: {  	[smem:$0x3FB4] =	sst s0;
	s0 =	simm.s32 @!p1 $0x0  }
0x14: {  	s2 =	sld [smem:$0x3F98];
	s0 =	simm.s32 @p1 $0x1  }
0x15: {  	[smem:$0x3FB5] =	sst s0;
	s0 =	simm.s32 @!p2 $0x0  }
0x16: {  	s3 =	sld [smem:$0x3FDB];
	s0 =	simm.s32 @p2 $0x1  }
0x17: {  	s4 =	simm.s32 $0x1BF5;
	[smem:$0x3FB7] =	sst s0  }
0x18: {  	s0 =	sld [smem:$0x3F9A];
	_ =	swait.ge [sflag:s4], $0x0  }
0x19: {  	s7 =	sld [smem:$0x3F9B]  }
0x1a: {  	s8 =	sadd.s32 $0xFFFFE003, lr  }
0x1b: {  	s9 =	sadd.s32 $0xFFFFFEF7, lr;
	s5 =	simm.s32 $0xFFFFFFFF;
	p2 =	slt.u32 s8, $0xFFFFF086  }
0x1c: {  	p1 =	slt.u32 s9, $0xF7A;
	s5 =	simm.s32 @!p2 $0x0  }
0x1d: {  	s5 =	simm.s32 @p1 $0x1;
	p0 =	seq.s32 s7, s2  }
0x1e: {  	s7 =	smul.u32 @!p0 $0xF7A, s2;
	p2 =	seq.s32 @!p0 s5, $0x0  }
0x1f: {  	s9 =	smul.u32 $0xF7A, s1;
	s8 =	simm.s32 @!p0 $0x1BF5;
	p2 =	por !p2, p0  }
0x20: {  	[sflag:s8] =	ssyncset.s32 @!p0 $0xFFFFF086;
	s6 =	sadd.s32 @!p0 s3, s7;
	s7 =	simm.s32 @!p0 $0x108  }
0x21: {  	s3 =	sadd.s32 s3, s9;
	s6 =	sadd.s32 @!p0 $0x88, s6;
	s7 =	simm.s32 @p2 $0x1082  }
0x22: {  	[simem:s7], [sflag:s8] =	dma.local @!p0 [hbm:s6], $0xF7A  }
0x23: {  	s9 =	sor.u32 $0xD0000000, s2;
	s6 =	simm.s32 $0x108;
	_ =	swait.ge @!p0 [sflag:s8], $0x0  }
0x24: {  	s3 =	sadd.s32 $0x88, s3;
	s6 =	simm.s32 @!p1 $0x1082;
	[sflag:s4] =	ssyncset.s32 $0xFFFFF086  }
0x25: {  	[simem:s6], [sflag:s4] =	dma.local [hbm:s3], $0xF7A  }
0x26: {  	[smem:$0x3F9B] =	sst s1;
	(tag) =	ssettag s2;
	_ =	strace s9  }
0x27: {  	s1 =	sld [smem:$0x3FAB]  }
0x28: {  	s2 =	sld [smem:$0x3FAC]  }
0x29: {  	s4 =	sld [smem:$0x3FAE]  }
0x2a: {  	p0 =	seq.s32 s5, $0x0;
	s5 =	sld [smem:$0x3FAF]  }
0x2b: {  	s6 =	sld [smem:$0x3FB0]  }
0x2c: {  	s7 =	sld [smem:$0x3FB1]  }
0x2d: {  	s3 =	simm.s32 $0x108;
	s8 =	sld [smem:$0x3FB2]  }
0x2e: {  	s3 =	simm.s32 @!p0 $0x1082;
	s9 =	sld [smem:$0x3FB3]  }
0x2f: {  	lr =	sadd.s32 s0, s3;
	s0 =	sld [smem:$0x3FAA]  }
0x30: {  	s3 =	sld [smem:$0x3FAD]  }
0x31: {  	[smem:$0x3FB6] =	sst s10  }
0x32: {  	s10 =	sld [smem:$0x3FB4];
	_ =	sdelay $0x3  }
0x33: {  	p0 =	seq.s32 s10, $0x1;
	s10 =	sld [smem:$0x3FB6];
	_ =	sdelay $0x3  }
0x34: {  	[smem:$0x3FB6] =	sst s10  }
0x35: {  	s10 =	sld [smem:$0x3FB5];
	_ =	sdelay $0x3  }
0x36: {  	p1 =	seq.s32 s10, $0x1;
	s10 =	sld [smem:$0x3FB6];
	_ =	sdelay $0x3  }
0x37: {  	[smem:$0x3FB6] =	sst s10  }
0x38: {  	s10 =	sld [smem:$0x3FB7]  }
0x39: {  	_ = 	snop;
	(pc) =	sbr.ind lr, $3  }
0x3a: {  	_ = 	snop  }
0x3b: {  	_ = 	snop  }
0x3c: {  	p2 =	seq.s32 s10, $0x1;
	s10 =	sld [smem:$0x3FB6]  }
0x3d: {  	_ =	shalt  }
0x3e: {  	_ =	shalt  }
0x3f: {  	_ =	shalt  }
0x40: {  	_ =	shalt  }
0x41: {  	_ =	shalt  }
0x42: {  	_ =	shalt  }
0x43: {  	_ =	shalt  }
0x44: {  	_ =	shalt  }
0x45: {  	_ =	shalt  }
0x46: {  	_ =	shalt  }
0x47: {  	_ =	shalt  }
0x48: {  	_ =	shalt  }
0x49: {  	_ =	shalt  }
0x4a: {  	_ =	shalt  }
0x4b: {  	_ =	shalt  }
0x4c: {  	_ =	shalt  }
0x4d: {  	_ =	shalt  }
0x4e: {  	_ =	shalt  }
0x4f: {  	_ =	shalt  }
0x50: {  	_ =	shalt  }
0x51: {  	_ =	shalt  }
0x52: {  	_ =	shalt  }
0x53: {  	_ =	shalt  }
0x54: {  	_ =	shalt  }
0x55: {  	_ =	shalt  }
0x56: {  	_ =	shalt  }
0x57: {  	_ =	shalt  }
0x58: {  	_ =	shalt  }
0x59: {  	_ =	shalt  }
0x5a: {  	_ =	shalt  }
0x5b: {  	_ =	shalt  }
0x5c: {  	_ =	shalt  }
0x5d: {  	_ =	shalt  }
0x5e: {  	_ =	shalt  }
0x5f: {  	_ =	shalt  }
0x60: {  	_ =	shalt  }
0x61: {  	_ =	shalt  }
0x62: {  	_ =	shalt  }
0x63: {  	_ =	shalt  }
0x64: {  	_ =	shalt  }
0x65: {  	_ =	shalt  }
0x66: {  	_ =	shalt  }
0x67: {  	_ =	shalt  }
0x68: {  	_ =	shalt  }
0x69: {  	_ =	shalt  }
0x6a: {  	_ =	shalt  }
0x6b: {  	_ =	shalt  }
0x6c: {  	_ =	shalt  }
0x6d: {  	_ =	shalt  }
0x6e: {  	_ =	shalt  }
0x6f: {  	_ =	shalt  }
0x70: {  	_ =	shalt  }
0x71: {  	_ =	shalt  }
0x72: {  	_ =	shalt  }
0x73: {  	_ =	shalt  }
0x74: {  	_ =	shalt  }
0x75: {  	_ =	shalt  }
0x76: {  	_ =	shalt  }
0x77: {  	_ =	shalt  }
0x78: {  	_ =	shalt  }
0x79: {  	_ =	shalt  }
0x7a: {  	_ =	shalt  }
0x7b: {  	_ =	shalt  }
0x7c: {  	_ =	shalt  }
0x7d: {  	_ =	shalt  }
0x7e: {  	_ =	shalt  }
0x7f: {  	_ =	shalt  }
0x80: {  	_ =	shalt  }
0x81: {  	_ =	shalt  }
0x82: {  	_ =	shalt  }
0x83: {  	_ =	shalt  }
0x84: {  	_ =	shalt  }
0x85: {  	_ =	shalt  }
0x86: {  	_ =	shalt  }
0x87: {  	_ =	shalt  }
.Lfunc_end0:
.L_simem_size_0:
called_computation_lowered:
.L_overlay_start_0:
0x88: {  	s2 =	sld [smem:$0x3FD9]  }
0x89: {  	s3 =	sld [smem:$0x3FFE];
	_ =	sdelay $0x1  }
0x8a: {  	s1 =	srdreg.scid  }
0x8b: {  	s0 =	sand.u32 $0x1, s1  }
0x8c: {  	s17 =	sshll.u32 s0, $0xA;
	s2 =	sadd.s32 s3, s2  }
0x8d: {  	s2 =	sadd.s32 s2, s17  }
0x8e: {  	[smem:$0x3FC2] =	sst s2  }
0x8f: {  	_ = 	snop  }
0x90: {  	s2 =	sld [smem:$0x3FC8]  }
0x91: {  	s18 =	sld [smem:$0x3FD0];
	(tm) =	ssettm $0x1  }
0x92: {  	s4 =	sld [smem:$0x3FFB];
	_ =	sdelay $0x3  }
0x93: {  	_ =	strace s4  }
0x94: {  	s4 =	sld [smem:$0x3FFC];
	_ =	sdelay $0x3  }
0x95: {  	_ =	strace s4  }
0x96: {  	s4 =	sld [smem:$0x3FFD];
	_ =	sdelay $0x3  }
0x97: {  	_ =	strace s4  }
0x98: {  	_ =	strace $0x8FFFFFFF  }
0x99: {  	s19 =	sld [smem:$0x3FDB];
	_ =	sdelay $0x1  }
0x9a: {  	s5 =	simm.s32 $_scs_section_size  }
0x9b: {  	s6 =	simm.s32 $_size__tile_overlayer_lowered;
	s7 =	simm.s32 $_tile_overlayer_lowered  }
0x9c: {  	s22 =	simm.s32 $0x1BFF;
	s21 =	sshll.u32 s7, $0x1;
	s4 =	sadd.s32 s5, s19  }
0x9d: {  	s8 =	simm.s32 $0x0;
	s20 =	sshll.u32 s6, $0x1;
	s6 =	sadd.s32 s21, s4  }
0x9e: {  	[timem:s8], [sflag:s22] =	dma.local [hbm:s6], s20  }
0x9f: {  	_ =	swait.ge [sflag:s22], s20  }
0xa0: {  	s5 =	ssub.s32 $0x0, s20;
	[sflag:s22] =	ssyncset.done $0x0  }
0xa1: {  	[sflag:s22] =	ssyncadd.s32 s5;
	_ =	sdelay $0x1  }
0xa2: {  	s23 =	simm.s32 $0x1B8B  }
0xa3: {  	_ =	swait.ge [sflag:s23], $0x1  }
0xa4: {  	[sflag:s23] =	ssyncset.done $0x0  }
0xa5: {  	s25 =	simm.s32 $0x1B8E;
	s24 =	sld [smem:$0x3FFE];
	[sflag:s23] =	ssyncadd.s32 $0xFFFFFFFF  }
0xa6: {  	s26 =	simm.s32 $execute0_lowered;
	[smem:$0x3FD2] =	sst s25  }
0xa7: {  	s6 =	sshll.u32 s26, $0x1;
	_ =	strace $0x80000046;
	[dreg:$0x1] =	wrdreg $0xFFFFFFFF  }
0xa8: {  	s28 =	simm.s32 $_size_execute0_lowered;
	s4 =	sadd.s32 s4, s6;
	[dreg:$0x0] =	wrdreg $0x0  }
0xa9: {  	s6 =	sshll.u32 s28, $0x1;
	[dreg:$0x2] =	wrdreg s4  }
0xaa: {  	[dreg:$0x3] =	wrdreg s6  }
0xab: {  	[dreg:$0x4] =	wrdreg $0xC0  }
0xac: {  	_ =	task [dreg:s8], $0x5FFFF  }
0xad: {  	[dreg:$0x1] =	wrdreg $0xFFFFFFFF  }
0xae: {  	[dreg:$0x0] =	wrdreg $0x60  }
0xaf: {  	[dreg:$0x2] =	wrdreg s24  }
0xb0: {  	[dreg:$0x3] =	wrdreg s2  }
0xb1: {  	[dreg:$0x4] =	wrdreg s18  }
0xb2: {  	[dreg:$0x5] =	wrdreg $0x9  }
0xb3: {  	_ =	task.clear_ibuf [dreg:s8], $0x6FFFF;
	_ =	strace $0x90000046  }
0xb4: {  	s29 =	simm.s32 $0x9;
	_ =	strace $0x80000048  }
0xb5: {  	_ =	swait.ge [sflag:s29], $0x1  }
0xb6: {  	[sflag:s29] =	ssyncadd.s32 $0xFFFFFFFF  }
0xb7: {  	_ =	strace $0x90000048  }
0xb8: {  	_ =	sfence  }
0xb9: {  	s30 =	sld [smem:$0x0];
	_ =	sdelay $0x2  }
0xba: {  	s31 =	sshll.u32 s1, $0xD;
	s1 =	sshrl.u32 s1, $0x2  }
0xbb: {  	s3 =	sand.u32 $0x4000, s31;
	s1 =	sadd.s32 s1, s30  }
0xbc: {  	s0 =	sor.u32 s3, s0;
	s1 =	sshll.u32 s1, $0x11  }
0xbd: {  	s0 =	sor.u32 s1, s0  }
0xbe: {  	s0 =	sadd.s32 $0x8F2B, s0  }
0xbf: {  	[sflag:s0] =	ssyncadd.remote.s32 $0x1  }
0xc0: {  	_ =	sfence.sel $0xFFFF  }
0xc1: {  	[dreg:$0x0] =	wrdreg $0xFFFFFFFF;
	(pc) =	sbr.abs _section_cstart, $3  }
0xc2: {  	[dreg:$0x1] =	wrdreg $0xFFFFFFFF  }
0xc3: {  	_ =	task.clear_ibuf [dreg:s8], $0x2FFFF;
	_ =	strace $0x9FFFFFFF  }
0xc4: {  	(tm) =	ssettm $0x7FFFFFFF  }
0xc5: {  	_ =	shalt  }
tec
execute0_lowered:
.L_overlay_start_1:
0x0: {  	(tag) =	ssettag $0x1  }
0x1: {  	s3 =	rddreg [dreg:$0x0];
	s1 =	srdreg.scid  }
0x2: {  	s0 =	stileid.u32;
	s5 =	rddreg [dreg:$0x1]  }
0x3: {  	s6 =	rddreg [dreg:$0x2];
	s12 =	simm.s32 $0xA000;
	s13 =	simm.s32 $0x2  }
0x4: {  	s14 =	simm.s32 $0x0;
	s4 =	sand.u32 $0x1, s1;
	s30 =	sshll.u32 s0, $0x1  }
0x5: {  	s1 =	rddreg [dreg:$0x3];
	s9 =	smul.u32 $0x4E20, s0;
	s3 =	sadd.s32 $0xE00, s3  }
0x6: {  	s2 =	sor.u32 s4, s30;
	s8 =	ssub.s32 $0x2, s4;
	s11 =	smul.u32 $0x2710, s4  }
0x7: {  	s7 =	smul.u32 $0x2710, s2;
	s2 =	simm.s32 $0x0;
	s10 =	sshrl.u32 s8, $0x1  }
0x8: {  	[smem:$0x7FF] =	sst s2;
	s8 =	ssub.s32 s8, s10;
	s9 =	sadd.s32 s11, s9  }
0x9: {  	s11 =	simm.s32 $0x1;
	_ =	strace $0x80000047;
	s4 =	sand.u32 $0x70, s7  }
0xa: {  	s31 =	sshrl.u32 s7, $0x2;
	s7 =	sshrl.u32 s7, $0x3;
	s9 =	sshrl.u32 s9, $0x4  }
0xb: {  	s10 =	sand.u32 $0x1FFE0, s31;
	s6 =	sadd.s32 s6, s7;
	s9 =	sand.u32 $0x7, s9  }
0xc: {  	s7 =	smax.u32 s8, $0x1;
	s8 =	sshll.u32 s9, $0x4;
	s9 =	sshll.u32 s9, $0x5  }
0xd: {  	s5 =	sadd.s32 s5, s10;
	s10 =	simm.s32 $0x5000;
	s9 =	sadd.s32 $0x60, s9  }
.LBB2_1:
0xe: {  	[tilespmem:s2], [sflag:$0x1] =	stream.linear.gather [hbm4b:s3+s2], $0x5000, $0x38;
	[tilespmem:$0xC780] =	vst v63  }
0xf: {  	_ = 	snop  }
0x10: {  	[tilespmem:s10], [sflag:$0x1] =	stream.linear.gather [hbm4b:s5+s2], $0x5000, $0x38;
	[tilespmem:$0xC780] =	vst v63  }
0x11: {  	_ =	swait.ge [sflag:s11], $0x5000  }
0x12: {  	[sflag:s11] =	ssyncset.done $0x0  }
0x13: {  	s16 =	sadd.s32 $0xFFFFFFC0, s8;
	[sflag:s11] =	ssyncadd.s32 $0xFFFFB000  }
0x14: {  	s17 =	sadd.s32 $0xFFFFFFE0, s9;
	s15 =	sadd.s32 $0x60, s16;
	_ =	swait.ge [sflag:s11], $0x5000  }
0x15: {  	s17 =	sand.u32 $0xFF00, s17;
	s15 =	sand.u32 $0x70, s15;
	[sflag:s11] =	ssyncset.done $0x0  }
0x16: {  	s15 =	sor.u32 s15, s17;
	[sflag:s11] =	ssyncadd.s32 $0xFFFFB000  }
0x17: {  	v0 =	vld [tilespmem:s15+$0x5080]  }
0x18: {  	s25 =	sadd.s32 $0xFFFFFFA0, s9;
	s26 =	sadd.s32 $0xFFFFFFC0, s9;
	s18 =	sadd.s32 $0x50, s16  }
0x19: {  	s19 =	sadd.s32 $0x40, s16;
	s18 =	sand.u32 $0x70, s18;
	s17 =	sand.u32 $0xFF00, s26;
	v1 =	vld [tilespmem:s15+$0x5000]  }
0x1a: {  	s19 =	sand.u32 $0x70, s19;
	s17 =	sor.u32 s18, s17;
	s15 =	sand.u32 $0xFF00, s25  }
0x1b: {  	v3 =	vld [tilespmem:s17+$0x5000];
	s15 =	sor.u32 s19, s15  }
0x1c: {  	v4 =	vld [tilespmem:s15+$0x5080];
	v2 =	vshll.u32 v0, $0x1  }
0x1d: {  	v0 =	vand.u32 $0x7F, v0;
	v2 =	vand.u32 $0xFFFFFF00, v2  }
0x1e: {  	s28 =	sadd.s32 $0x80, s9;
	v5 =	vshll.u32 v1, $0x1;
	v0 =	vor.u32 v2, v0  }
0x1f: {  	s29 =	sadd.s32 $0x0, s8;
	s20 =	sand.u32 $0xFF00, s9;
	s16 =	sadd.s32 $0x70, s16;
	v1 =	vand.u32 $0x7F, v1;
	v2 =	vand.u32 $0xFFFFFF00, v5;
	v0 =	vor.u32 $0x80, v0  }
0x20: {  	s30 =	sadd.s32 $0x60, s29;
	s31 =	sadd.s32 $0xFFFFFFE0, s28;
	s16 =	sand.u32 $0x70, s16;
	v5 =	vld [tilespmem:s15+$0x5000];
	v1 =	vor.u32 v1, v2  }
0x21: {  	s16 =	sor.u32 s16, s20;
	s19 =	sand.u32 $0xFF00, s31;
	v6 =	vshll.u32 v3, $0x1;
	v3 =	vand.u32 $0x7F, v3;
	v7 =	vshll.u32 v4, $0x1;
	v2 =	vld [tilespmem:s17+$0x5080];
	s17 =	sand.u32 $0x70, s30  }
0x22: {  	v9 =	vld [tilespmem:s16+$0x5080];
	v6 =	vand.u32 $0xFFFFFF00, v6;
	v4 =	vand.u32 $0x7F, v4;
	v7 =	vand.u32 $0xFFFFFF00, v7;
	s17 =	sor.u32 s17, s19  }
0x23: {  	v3 =	vor.u32 v3, v6;
	v4 =	vor.u32 v7, v4;
	v7 =	vld [tilespmem:s17+$0x5080]  }
0x24: {  	v0 =	vld.idx.msk [tilespmem:v0+s2+$0x0], $0xffff  }
0x25: {  	v4 =	vor.u32 $0x80, v4;
	v8 =	vshll.u32 v5, $0x1;
	v1 =	vld.idx.msk [tilespmem:v1+s2+$0x0], $0xffff  }
0x26: {  	v5 =	vand.u32 $0x7F, v5;
	v6 =	vand.u32 $0xFFFFFF00, v8  }
0x27: {  	v5 =	vor.u32 v5, v6;
	v6 =	vld [tilespmem:s17+$0x5000]  }
0x28: {  	s21 =	sadd.s32 $0xFFFFFFC0, s28;
	s22 =	sadd.s32 $0x40, s29;
	s20 =	sadd.s32 $0xFFFFFFA0, s28;
	v14 =	vshll.u32 v9, $0x1;
	v9 =	vand.u32 $0x7F, v9;
	v3 =	vld.idx.msk [tilespmem:v3+s2+$0x0], $0xffff  }
0x29: {  	s23 =	sadd.s32 $0x50, s29;
	v14 =	vand.u32 $0xFFFFFF00, v14;
	s19 =	sand.u32 $0x70, s22;
	v8 =	vld [tilespmem:s16+$0x5000];
	v10 =	vand.u32 $0x7F, v2;
	v2 =	vshll.u32 v2, $0x1;
	s16 =	sand.u32 $0xFF00, s20  }
0x2a: {  	s20 =	sand.u32 $0x70, s23;
	v2 =	vand.u32 $0xFFFFFF00, v2;
	s17 =	sand.u32 $0xFF00, s21;
	s16 =	sor.u32 s19, s16;
	v4 =	vld.idx.msk [tilespmem:v4+s2+$0x0], $0xffff;
	v0 =	vadd.f32 v0, v1;
	v1 =	vshll.u32 v7, $0x1  }
0x2b: {  	s17 =	sor.u32 s20, s17;
	v12 =	vld [tilespmem:s16+$0x5080];
	v2 =	vor.u32 v2, v10;
	v7 =	vand.u32 $0x7F, v7;
	v1 =	vand.u32 $0xFFFFFF00, v1  }
0x2c: {  	v10 =	vld [tilespmem:s17+$0x5000];
	v2 =	vor.u32 $0x80, v2;
	v13 =	vshll.u32 v6, $0x1;
	v1 =	vor.u32 v1, v7  }
0x2d: {  	s18 =	sadd.s32 $0x70, s29;
	v5 =	vld.idx.msk [tilespmem:v5+s2+$0x0], $0xffff;
	v6 =	vand.u32 $0x7F, v6;
	v13 =	vand.u32 $0xFFFFFF00, v13;
	v1 =	vor.u32 $0x80, v1  }
0x2e: {  	s24 =	sand.u32 $0xFF00, s28;
	s18 =	sand.u32 $0x70, s18;
	v9 =	vor.u32 v14, v9;
	v11 =	vshll.u32 v8, $0x1;
	v7 =	vld [tilespmem:s17+$0x5080];
	v6 =	vor.u32 v6, v13  }
0x2f: {  	s25 =	sor.u32 s18, s24;
	v8 =	vand.u32 $0x7F, v8;
	v11 =	vand.u32 $0xFFFFFF00, v11;
	v0 =	vadd.f32 v0, v0;
	v13 =	vld [tilespmem:s16+$0x5000]  }
0x30: {  	v9 =	vor.u32 $0x80, v9;
	v8 =	vor.u32 v8, v11;
	v11 =	vld [tilespmem:s25+$0x5000]  }
0x31: {  	v15 =	vshll.u32 v10, $0x1;
	v10 =	vand.u32 $0x7F, v10;
	v2 =	vld.idx.msk [tilespmem:v2+s2+$0x0], $0xffff;
	v0 =	vmul.f32 $1.442695020e+00, v0  }
0x32: {  	v15 =	vand.u32 $0xFFFFFF00, v15;
	v4 =	vadd.f32 v4, v5;
	v5 =	vshll.u32 v12, $0x1;
	v1 =	vld.idx.msk [tilespmem:v1+s2+$0x0], $0xffff  }
0x33: {  	(erf) = vpow2.f32 v0;
	v12 =	vand.u32 $0x7F, v12;
	v5 =	vand.u32 $0xFFFFFF00, v5;
	v6 =	vld.idx.msk [tilespmem:v6+s2+$0x0], $0xffff  }
0x34: {  	s26 =	sadd.s32 $0x40, s8;
	s15 =	sadd.s32 $0x80, s28;
	v16 =	vshll.u32 v7, $0x1;
	v5 =	vor.u32 v5, v12;
	v12 =	vshll.u32 v13, $0x1  }
0x35: {  	s28 =	sadd.s32 $0x60, s26;
	s29 =	sadd.s32 $0xFFFFFFE0, s15;
	v0 =	vld [tilespmem:s25+$0x5080];
	v13 =	vand.u32 $0x7F, v13;
	v5 =	vor.u32 $0x80, v5;
	v12 =	vand.u32 $0xFFFFFF00, v12  }
0x36: {  	s18 =	sand.u32 $0xFF00, s29;
	v9 =	vld.idx.msk [tilespmem:v9+s2+$0x0], $0xffff;
	s17 =	sand.u32 $0x70, s28;
	v7 =	vand.u32 $0x7F, v7;
	v14 =	vshll.u32 v11, $0x1;
	v12 =	vor.u32 v13, v12  }
0x37: {  	s17 =	sor.u32 s17, s18;
	v8 =	vld.idx.msk [tilespmem:v8+s2+$0x0], $0xffff;
	v4 =	vadd.f32 v4, v4;
	v2 =	vadd.f32 v2, v3;
	v13 =	vand.u32 $0xFFFFFF00, v16  }
0x38: {  	v3 =	vor.u32 v13, v7;
	v7 =	vand.u32 $0x7F, v11;
	v11 =	vld [tilespmem:s17+$0x5000];
	v1 =	vadd.f32 v1, v6  }
0x39: {  	s31 =	sadd.s32 $0x50, s26;
	v10 =	vor.u32 v10, v15;
	v4 =	vmul.f32 $1.442695020e+00, v4;
	v2 =	vadd.f32 v2, v2;
	v6 =	vld [tilespmem:s17+$0x5080]  }
0x3a: {  	s30 =	sadd.s32 $0xFFFFFFC0, s15;
	s19 =	sand.u32 $0x70, s31;
	v15 =	vshll.u32 v0, $0x1;
	v13 =	vand.u32 $0xFFFFFF00, v14;
	v5 =	vld.idx.msk [tilespmem:v5+s2+$0x0], $0xffff;
	v1 =	vadd.f32 v1, v1  }
0x3b: {  	s21 =	sadd.s32 $0x40, s26;
	s20 =	sadd.s32 $0xFFFFFFA0, s15;
	s18 =	sand.u32 $0xFF00, s30;
	v0 =	vand.u32 $0x7F, v0;
	v7 =	vor.u32 v7, v13;
	v3 =	vor.u32 $0x80, v3;
	v12 =	vld.idx.msk [tilespmem:v12+s2+$0x0], $0xffff  }
0x3c: {  	v8 =	vadd.f32 v9, v8;
	v15 =	vand.u32 $0xFFFFFF00, v15;
	s17 =	sor.u32 s19, s18;
	s19 =	sand.u32 $0x70, s21;
	s18 =	sand.u32 $0xFF00, s20;
	v1 =	vmul.f32 $1.442695020e+00, v1  }
0x3d: {  	(erf) = vpow2.f32 v4;
	v2 =	vmul.f32 $1.442695020e+00, v2;
	v0 =	vor.u32 v15, v0;
	v4 =	vld [tilespmem:s17+$0x5000];
	s18 =	sor.u32 s19, s18  }
0x3e: {  	v8 =	vadd.f32 v8, v8;
	v14 =	vld [tilespmem:s18+$0x5080];
	v13 =	vshll.u32 v6, $0x1;
	(erf) = vpow2.f32 v1  }
0x3f: {  	v1 =	vand.u32 $0x7F, v6;
	v6 =	vand.u32 $0xFFFFFF00, v13;
	(erf) = vpow2.f32 v2  }
0x40: {  	v2 =	vshll.u32 v11, $0x1;
	v1 =	vor.u32 v6, v1;
	v5 =	vadd.f32 v5, v12;
	v12 =	vld [tilespmem:s18+$0x5000]  }
0x41: {  	s16 =	sadd.s32 $0x70, s26;
	v10 =	vld.idx.msk [tilespmem:v10+s2+$0x0], $0xffff;
	v11 =	vand.u32 $0x7F, v11;
	v2 =	vand.u32 $0xFFFFFF00, v2;
	v1 =	vor.u32 $0x80, v1  }
0x42: {  	s22 =	sand.u32 $0xFF00, s15;
	s16 =	sand.u32 $0x70, s16;
	v0 =	vor.u32 $0x80, v0;
	v8 =	vmul.f32 $1.442695020e+00, v8;
	v3 =	vld.idx.msk [tilespmem:v3+s2+$0x0], $0xffff;
	v2 =	vor.u32 v11, v2  }
0x43: {  	s16 =	sor.u32 s16, s22;
	v13 =	vld [tilespmem:s17+$0x5080];
	v9 =	vshll.u32 v4, $0x1;
	v4 =	vand.u32 $0x7F, v4;
	v15 =	vshll.u32 v14, $0x1  }
0x44: {  	v16 =	vld [tilespmem:s16+$0x5080];
	v9 =	vand.u32 $0xFFFFFF00, v9;
	v14 =	vand.u32 $0x7F, v14;
	v15 =	vand.u32 $0xFFFFFF00, v15  }
0x45: {  	v11 =	vld [tilespmem:s16+$0x5000];
	v14 =	vor.u32 v15, v14;
	v18 =	vand.u32 $0x7F, v12;
	v12 =	vshll.u32 v12, $0x1  }
0x46: {  	s23 =	sadd.s32 $0x80, s8;
	s15 =	sadd.s32 $0x80, s15;
	v4 =	vor.u32 v4, v9;
	v6 =	vpop (erf);
	v14 =	vor.u32 $0x80, v14;
	v1 =	vld.idx.msk [tilespmem:v1+s2+$0x0], $0xffff;
	v12 =	vand.u32 $0xFFFFFF00, v12  }
0x47: {  	s24 =	sadd.s32 $0x60, s23;
	s25 =	sadd.s32 $0xFFFFFFE0, s15;
	v5 =	vadd.f32 v5, v5;
	v3 =	vadd.f32 v3, v10;
	v19 =	vpop (erf);
	v2 =	vld.idx.msk [tilespmem:v2+s2+$0x0], $0xffff;
	v9 =	vor.u32 v18, v12  }
0x48: {  	s17 =	sand.u32 $0x70, s24;
	s18 =	sand.u32 $0xFF00, s25;
	v6 =	vadd.f32 $1.000000000e+00, v6;
	v17 =	vand.u32 $0x7F, v13;
	v13 =	vshll.u32 v13, $0x1;
	v15 =	vpop (erf)  }
0x49: {  	s17 =	sor.u32 s17, s18;
	v5 =	vmul.f32 $1.442695020e+00, v5;
	v3 =	vadd.f32 v3, v3;
	v13 =	vand.u32 $0xFFFFFF00, v13;
	v21 =	vpop (erf)  }
0x4a: {  	v12 =	vshll.u32 v16, $0x1;
	v18 =	vld [tilespmem:s17+$0x5080];
	(erf) = vpow2.f32 v8;
	v8 =	vadd.f32 $1.000000000e+00, v21  }
0x4b: {  	v3 =	vmul.f32 $1.442695020e+00, v3;
	v20 =	vshll.u32 v11, $0x1;
	v10 =	vld.idx.msk [tilespmem:v14+s2+$0x0], $0xffff;
	v12 =	vand.u32 $0xFFFFFF00, v12  }
0x4c: {  	v1 =	vadd.f32 v1, v2;
	v2 =	vadd.f32 $1.000000000e+00, v19;
	(erf) = vrcp.f32 v8;
	v9 =	vld.idx.msk [tilespmem:v9+s2+$0x0], $0xffff  }
0x4d: {  	s28 =	sadd.s32 $0x50, s23;
	s26 =	sadd.s32 $0xFFFFFFC0, s15;
	v8 =	vor.u32 v13, v17;
	(erf) = vpow2.f32 v5;
	v5 =	vand.u32 $0x7F, v11;
	v11 =	vld [tilespmem:s17+$0x5000]  }
0x4e: {  	s19 =	sand.u32 $0x70, s28;
	v7 =	vld.idx.msk [tilespmem:v7+s2+$0x0], $0xffff;
	s18 =	sand.u32 $0xFF00, s26;
	v1 =	vadd.f32 v1, v1;
	(erf) = vrcp.f32 v2;
	v2 =	vand.u32 $0xFFFFFF00, v20  }
0x4f: {  	s29 =	sadd.s32 $0xFFFFFFA0, s15;
	s18 =	sor.u32 s19, s18;
	s16 =	sadd.s32 $0x40, s23;
	v20 =	vor.u32 $0x80, v8;
	v8 =	vshll.u32 v18, $0x1;
	v5 =	vor.u32 v5, v2;
	v2 =	vld.idx.msk [tilespmem:v0+s2+$0x0], $0xffff  }
0x50: {  	s16 =	sand.u32 $0x70, s16;
	s17 =	sand.u32 $0xFF00, s29;
	(erf) = vrcp.f32 v6;
	v0 =	vadd.f32 $1.000000000e+00, v15;
	v6 =	vld [tilespmem:s18+$0x5000];
	v1 =	vmul.f32 $1.442695020e+00, v1  }
0x51: {  	v13 =	vld [tilespmem:s18+$0x5080];
	s16 =	sor.u32 s16, s17;
	v14 =	vand.u32 $0xFFFFFF00, v8;
	v24 =	vadd.f32 v10, v9;
	v9 =	vand.u32 $0x7F, v16  }
0x52: {  	v19 =	vld [tilespmem:s16+$0x5000];
	(erf) = vpow2.f32 v1;
	v1 =	vand.u32 $0x7F, v18;
	v10 =	vand.u32 $0x7F, v11  }
0x53: {  	s30 =	sadd.s32 $0x70, s23;
	v11 =	vshll.u32 v11, $0x1;
	(erf) = vpow2.f32 v3;
	v3 =	vpop (erf);
	v1 =	vor.u32 v14, v1  }
0x54: {  	s31 =	sand.u32 $0xFF00, s15;
	s20 =	sand.u32 $0x70, s30;
	v16 =	vld [tilespmem:s16+$0x5080];
	v14 =	vor.u32 v12, v9;
	v24 =	vadd.f32 v24, v24;
	v18 =	vadd.f32 $1.000000000e+00, v3  }
0x55: {  	s19 =	sor.u32 s20, s31;
	v3 =	vand.u32 $0xFFFFFF00, v11;
	v7 =	vadd.f32 v2, v7;
	v11 =	vshll.u32 v6, $0x1  }
0x56: {  	v8 =	vld [tilespmem:s19+$0x5000];
	v23 =	vor.u32 $0x80, v1;
	v25 =	vand.u32 $0x7F, v6;
	v6 =	vshll.u32 v13, $0x1;
	v2 =	vpop (erf)  }
0x57: {  	v1 =	vld [tilespmem:s19+$0x5080];
	v17 =	vand.u32 $0x7F, v19;
	v22 =	vshll.u32 v19, $0x1;
	v21 =	vor.u32 v10, v3;
	v10 =	vpop (erf)  }
0x58: {  	v20 =	vld.idx.msk [tilespmem:v20+s2+$0x0], $0xffff;
	v26 =	vand.u32 $0xFFFFFF00, v11;
	v11 =	vand.u32 $0x7F, v13;
	v15 =	vand.u32 $0xFFFFFF00, v6;
	v3 =	vpop (erf)  }
0x59: {  	v5 =	vld.idx.msk [tilespmem:v5+s2+$0x0], $0xffff;
	v27 =	vadd.f32 v7, v7;
	v12 =	vshll.u32 v16, $0x1;
	(erf) = vrcp.f32 v18;
	v9 =	vpop (erf)  }
0x5a: {  	v7 =	vld.idx.msk [tilespmem:v4+s2+$0x0], $0xffff;
	v12 =	vand.u32 $0xFFFFFF00, v12;
	v4 =	vadd.f32 v9, v9;
	v9 =	vand.u32 $0x7F, v16  }
0x5b: {  	s17 =	simm.s32 $0xA020;
	s18 =	simm.s32 $0xC0;
	v13 =	vshll.u32 v8, $0x1;
	v16 =	vld.idx.msk [tilespmem:v23+s2+$0x0], $0xffff;
	v9 =	vor.u32 v12, v9;
	v12 =	vor.u32 v25, v26;
	v6 =	vpop (erf)  }
0x5c: {  	s16 =	simm.s32 $0xA060;
	s19 =	sadd.s32 $0x80, s15;
	s15 =	simm.s32 $0xA0A0;
	v23 =	vmul.f32 $1.442695020e+00, v27;
	v19 =	vld.idx.msk [tilespmem:v21+s2+$0x0], $0xffff;
	v18 =	vor.u32 $0x80, v9;
	v9 =	vshll.u32 v1, $0x1;
	v21 =	vpop (erf)  }
.LBB2_2:
0x5d: {  	s20 =	sadd.s32 s18, s8;
	s21 =	sadd.s32 $0xFFFFFFA0, s19;
	s22 =	sadd.s32 $0xFFFFFFC0, s19;
	v22 =	vand.u32 $0xFFFFFF00, v22;
	v11 =	vor.u32 v15, v11;
	v8 =	vand.u32 $0x7F, v8  }
0x5e: {  	s25 =	sadd.s32 $0xFFFFFFE0, s19;
	v13 =	vand.u32 $0xFFFFFF00, v13;
	v2 =	vadd.f32 v2, v2;
	s23 =	sadd.s32 $0x50, s20;
	s24 =	sadd.s32 $0x60, s20;
	v15 =	vor.u32 v17, v22  }
0x5f: {  	s28 =	sand.u32 $0xFF00, s19;
	s26 =	sadd.s32 $0x70, s20;
	v13 =	vor.u32 v8, v13;
	v8 =	vor.u32 $0x80, v14;
	s24 =	sand.u32 $0x70, s24;
	(erf) = vpow2.f32 v23  }
0x60: {  	v10 =	vadd.f32 $1.000000000e+00, v10;
	s20 =	sadd.s32 $0x40, s20;
	s25 =	sand.u32 $0xFF00, s25;
	v22 =	vmul.f32 $1.442695020e+00, v24;
	v17 =	vadd.f32 $1.000000000e+00, v21;
	s23 =	sand.u32 $0x70, s23;
	v12 =	vld.idx.msk [tilespmem:v12+s2+$0x0], $0xffff  }
0x61: {  	v3 =	vadd.f32 v3, v3;
	s22 =	sand.u32 $0xFF00, s22;
	v25 =	vor.u32 $0x80, v11;
	s24 =	sor.u32 s24, s25;
	s25 =	sand.u32 $0x70, s26;
	v11 =	vadd.f32 v16, v19;
	v18 =	vld.idx.msk [tilespmem:v18+s2+$0x0], $0xffff  }
0x62: {  	v4 =	vsub.f32 $1.000000000e+00, v4;
	s21 =	sand.u32 $0xFF00, s21;
	s20 =	sand.u32 $0x70, s20;
	s22 =	sor.u32 s23, s22;
	v7 =	vadd.f32 v20, v7;
	v16 =	vld [tilespmem:s24+$0x5080];
	(erf) = vrcp.f32 v17  }
0x63: {  	s18 =	sadd.s32 $0x40, s18;
	v3 =	vsub.f32 $1.000000000e+00, v3;
	s20 =	sor.u32 s20, s21;
	v11 =	vadd.f32 v11, v11;
	v15 =	vld.idx.msk [tilespmem:v15+s2+$0x0], $0xffff;
	(erf) = vpow2.f32 v22;
	v14 =	vpop (erf)  }
0x64: {  	p0 =	slt.u32 s18, $0x26C0;
	v19 =	vadd.f32 v7, v7;
	v17 =	vld.idx.msk [tilespmem:v8+s2+$0x0], $0xffff;
	(erf) = vrcp.f32 v10;
	[tilespmem:s17+$0x0] =	vst v4;
	v4 =	vadd.f32 v14, v14  }
0x65: {  	s21 =	sor.u32 s25, s28;
	v8 =	vmul.f32 $1.442695020e+00, v11;
	v10 =	vld [tilespmem:s24+$0x5000];
	(erf) = vrcp.f32 v0;
	v0 =	vadd.f32 $1.000000000e+00, v6;
	[tilespmem:s17+$0xFFFFFFE0] =	vst v3  }
0x66: {  	v2 =	vsub.f32 $1.000000000e+00, v2;
	v19 =	vmul.f32 $1.442695020e+00, v19;
	v7 =	vmovc v12;
	v6 =	vld [tilespmem:s22+$0x5080];
	v4 =	vsub.f32 $1.000000000e+00, v4  }
0x67: {  	v11 =	vld [tilespmem:s22+$0x5000];
	v12 =	vshll.u32 v16, $0x1;
	(erf) = vpow2.f32 v8  }
0x68: {  	v14 =	vand.u32 $0x7F, v16;
	v12 =	vand.u32 $0xFFFFFF00, v12;
	v8 =	vld [tilespmem:s21+$0x5000];
	(erf) = vpow2.f32 v19;
	v3 =	vpop (erf);
	[tilespmem:s17+$0x10] =	vst v4  }
0x69: {  	v9 =	vand.u32 $0xFFFFFF00, v9;
	v20 =	vadd.f32 v18, v15;
	v4 =	vand.u32 $0x7F, v1;
	v1 =	vld [tilespmem:s21+$0x5080];
	[tilespmem:s17+$0xFFFFFFF0] =	vst v2;
	s17 =	smov.u32 s16;
	s16 =	smov.u32 s15  }
0x6a: {  	v18 =	vadd.f32 $1.000000000e+00, v3;
	v16 =	vld [tilespmem:s20+$0x5080];
	v15 =	vand.u32 $0x7F, v10;
	v21 =	vshll.u32 v10, $0x1  }
0x6b: {  	v14 =	vor.u32 v12, v14;
	v5 =	vadd.f32 v17, v5;
	v19 =	vld [tilespmem:s20+$0x5000];
	v22 =	vand.u32 $0xFFFFFF00, v21;
	v2 =	vpop (erf)  }
0x6c: {  	v21 =	vor.u32 $0x80, v14;
	v12 =	vshll.u32 v11, $0x1;
	v23 =	vor.u32 v15, v22;
	v10 =	vpop (erf)  }
0x6d: {  	v26 =	vadd.f32 v5, v5;
	v24 =	vand.u32 $0x7F, v11;
	v12 =	vand.u32 $0xFFFFFF00, v12;
	v3 =	vpop (erf)  }
0x6e: {  	v5 =	vshll.u32 v6, $0x1;
	v14 =	vor.u32 v9, v4;
	v11 =	vand.u32 $0x7F, v6;
	v4 =	vpop (erf)  }
.Ltmp0:
0x6f: {  	v15 =	vand.u32 $0xFFFFFF00, v5;
	v9 =	vshll.u32 v16, $0x1;
	v5 =	vld.idx.msk [tilespmem:v13+s2+$0x0], $0xffff;
	v4 =	vadd.f32 v4, v4;
	(pc) =	sbr.rel @p0 .LBB2_2-.Ltmp0, $4  }
0x70: {  	v27 =	vand.u32 $0x7F, v16;
	v13 =	vshll.u32 v8, $0x1;
	v17 =	vand.u32 $0x7F, v19;
	v6 =	vpop (erf)  }
0x71: {  	v22 =	vshll.u32 v19, $0x1;
	v9 =	vand.u32 $0xFFFFFF00, v9;
	v16 =	vld.idx.msk [tilespmem:v21+s2+$0x0], $0xffff;
	v21 =	vpop (erf);
	(erf) = vrcp.f32 v18  }
0x72: {  	v12 =	vor.u32 v24, v12;
	v9 =	vor.u32 v9, v27;
	v19 =	vld.idx.msk [tilespmem:v23+s2+$0x0], $0xffff;
	v23 =	vmul.f32 $1.442695020e+00, v26  }
0x73: {  	s19 =	sadd.s32 $0x80, s19;
	s15 =	sadd.s32 $0x40, s15;
	v24 =	vadd.f32 v20, v20;
	v18 =	vor.u32 $0x80, v9;
	v9 =	vshll.u32 v1, $0x1;
	v20 =	vld.idx.msk [tilespmem:v25+s2+$0x0], $0xffff  }
0x74: {  	v14 =	vor.u32 $0x80, v14;
	_ =	sdelay $0x2  }
0x75: {  	v21 =	vadd.f32 $1.000000000e+00, v21;
	(erf) = vpow2.f32 v23;
	v16 =	vadd.f32 v16, v19  }
0x76: {  	v60 =	vmul.f32 $1.442695020e+00, v24;
	v7 =	vadd.f32 v20, v7  }
0x77: {  	v10 =	vadd.f32 $1.000000000e+00, v10;
	(erf) = vrcp.f32 v21;
	v16 =	vadd.f32 v16, v16;
	v14 =	vld.idx.msk [tilespmem:v14+s2+$0x0], $0xffff  }
0x78: {  	v61 =	vand.u32 $0xFFFFFF00, v22;
	(erf) = vpow2.f32 v60;
	v7 =	vadd.f32 v7, v7  }
0x79: {  	v17 =	vor.u32 v17, v61;
	(erf) = vrcp.f32 v10;
	v62 =	vmul.f32 $1.442695020e+00, v16  }
0x7a: {  	v15 =	vor.u32 v15, v11;
	(erf) = vrcp.f32 v0;
	v63 =	vmul.f32 $1.442695020e+00, v7  }
0x7b: {  	v1 =	vand.u32 $0x7F, v1;
	v9 =	vand.u32 $0xFFFFFF00, v9;
	(erf) = vpow2.f32 v62  }
0x7c: {  	v7 =	vor.u32 $0x80, v15;
	(erf) = vpow2.f32 v63;
	v5 =	vadd.f32 v14, v5  }
0x7d: {  	v1 =	vor.u32 v9, v1;
	v21 =	vand.u32 $0xFFFFFF00, v13;
	v19 =	vld.idx.msk [tilespmem:v18+s2+$0x0], $0xffff;
	v20 =	vpop (erf)  }
0x7e: {  	v1 =	vor.u32 $0x80, v1;
	v22 =	vld.idx.msk [tilespmem:v17+s2+$0x0], $0xffff;
	v16 =	vand.u32 $0x7F, v8;
	v23 =	vpop (erf);
	v5 =	vadd.f32 v5, v5  }
0x7f: {  	v0 =	vor.u32 v16, v21;
	v11 =	vadd.f32 $1.000000000e+00, v23  }
0x80: {  	v24 =	vld.idx.msk [tilespmem:v12+s2+$0x0], $0xffff;
	v25 =	vpop (erf);
	v5 =	vmul.f32 $1.442695020e+00, v5  }
0x81: {  	v26 =	vpop (erf);
	(erf) = vrcp.f32 v11;
	v7 =	vld.idx.msk [tilespmem:v7+s2+$0x0], $0xffff  }
0x82: {  	v27 =	vpop (erf);
	(erf) = vpow2.f32 v5  }
0x83: {  	v1 =	vld.idx.msk [tilespmem:v1+s2+$0x0], $0xffff;
	v8 =	vadd.f32 v19, v22;
	v28 =	vpop (erf)  }
0x84: {  	v0 =	vld.idx.msk [tilespmem:v0+s2+$0x0], $0xffff;
	v29 =	vpop (erf)  }
0x85: {  	v8 =	vadd.f32 v8, v8;
	v30 =	vpop (erf)  }
0x86: {  	v7 =	vadd.f32 v7, v24;
	v13 =	vadd.f32 $1.000000000e+00, v30  }
0x87: {  	v8 =	vmul.f32 $1.442695020e+00, v8  }
0x88: {  	v31 =	vadd.f32 $1.000000000e+00, v26;
	v7 =	vadd.f32 v7, v7;
	(erf) = vrcp.f32 v13  }
0x89: {  	v6 =	vadd.f32 $1.000000000e+00, v6;
	v0 =	vadd.f32 v1, v0;
	(erf) = vpow2.f32 v8  }
0x8a: {  	v32 =	vpop (erf);
	v7 =	vmul.f32 $1.442695020e+00, v7;
	(erf) = vrcp.f32 v31  }
0x8b: {  	v0 =	vadd.f32 v0, v0;
	(erf) = vrcp.f32 v6;
	v33 =	vpop (erf)  }
0x8c: {  	(erf) = vpow2.f32 v7;
	v6 =	vadd.f32 $1.000000000e+00, v33  }
0x8d: {  	v0 =	vmul.f32 $1.442695020e+00, v0  }
0x8e: {  	(erf) = vrcp.f32 v6  }
0x8f: {  	(erf) = vpow2.f32 v0;
	_ =	sdelay $0x1  }
0x90: {  	v34 =	vpop (erf)  }
0x91: {  	v35 =	vpop (erf)  }
0x92: {  	v36 =	vpop (erf)  }
0x93: {  	v37 =	vpop (erf)  }
0x94: {  	v3 =	vadd.f32 v3, v3;
	v38 =	vpop (erf)  }
0x95: {  	v4 =	vsub.f32 $1.000000000e+00, v4;
	v9 =	vadd.f32 $1.000000000e+00, v38  }
0x96: {  	v2 =	vadd.f32 v2, v2;
	v6 =	vadd.f32 $1.000000000e+00, v35;
	v39 =	vpop (erf)  }
0x97: {  	v3 =	vsub.f32 $1.000000000e+00, v3;
	v5 =	vadd.f32 $1.000000000e+00, v29;
	(erf) = vrcp.f32 v9;
	v40 =	vpop (erf)  }
0x98: {  	v10 =	vadd.f32 v20, v20;
	(erf) = vrcp.f32 v6;
	v41 =	vadd.f32 $1.000000000e+00, v40  }
0x99: {  	[tilespmem:s17+$0x0] =	vst v4;
	v2 =	vsub.f32 $1.000000000e+00, v2;
	v46 =	vadd.f32 v25, v25;
	(erf) = vrcp.f32 v5  }
0x9a: {  	[tilespmem:s17+$0xFFFFFFE0] =	vst v3;
	v42 =	vsub.f32 $1.000000000e+00, v10;
	v44 =	vadd.f32 v27, v27;
	(erf) = vrcp.f32 v41  }
0x9b: {  	[tilespmem:s17+$0xFFFFFFF0] =	vst v2;
	v2 =	vsub.f32 $1.000000000e+00, v46;
	v43 =	vadd.f32 v28, v28  }
0x9c: {  	[tilespmem:s17+$0x10] =	vst v42;
	v3 =	vsub.f32 $1.000000000e+00, v44;
	v1 =	vadd.f32 v32, v32  }
0x9d: {  	[tilespmem:s16+$0xFFFFFFF0] =	vst v2;
	v45 =	vsub.f32 $1.000000000e+00, v43;
	v0 =	vadd.f32 v34, v34  }
0x9e: {  	[tilespmem:s16+$0xFFFFFFE0] =	vst v3;
	v1 =	vsub.f32 $1.000000000e+00, v1;
	v48 =	vadd.f32 v36, v36  }
0x9f: {  	[tilespmem:s16+$0x0] =	vst v45;
	v0 =	vsub.f32 $1.000000000e+00, v0;
	v47 =	vadd.f32 v37, v37  }
0xa0: {  	[tilespmem:s16+$0x10] =	vst v1;
	v53 =	vsub.f32 $1.000000000e+00, v48;
	v51 =	vadd.f32 v39, v39;
	v49 =	vpop (erf)  }
0xa1: {  	[tilespmem:s15+$0xFFFFFFF0] =	vst v0;
	v50 =	vsub.f32 $1.000000000e+00, v47;
	v52 =	vpop (erf);
	v60 =	vadd.f32 v49, v49  }
0xa2: {  	[tilespmem:s15+$0xFFFFFFE0] =	vst v53;
	v55 =	vsub.f32 $1.000000000e+00, v51;
	v54 =	vpop (erf);
	v56 =	vadd.f32 v52, v52  }
0xa3: {  	[tilespmem:s15+$0x0] =	vst v50;
	v3 =	vadd.f32 v54, v54;
	v57 =	vpop (erf);
	v0 =	vsub.f32 $1.000000000e+00, v60  }
0xa4: {  	s31 =	sadd.s32 $0x40, s15;
	[tilespmem:s15+$0x10] =	vst v55;
	v59 =	vadd.f32 v57, v57;
	v2 =	vsub.f32 $1.000000000e+00, v56  }
0xa5: {  	v58 =	vsub.f32 $1.000000000e+00, v3;
	[tilespmem:s31+$0xFFFFFFF0] =	vst v0  }
0xa6: {  	v61 =	vsub.f32 $1.000000000e+00, v59;
	[tilespmem:s31+$0xFFFFFFE0] =	vst v2  }
0xa7: {  	[tilespmem:s31+$0x0] =	vst v58  }
0xa8: {  	[tilespmem:s31+$0x10] =	vst v61  }
0xa9: {  	v0 =	vld [tilespmem:s4+$0x9E00]  }
0xaa: {  	v1 =	vld [tilespmem:s4+$0x9E80];
	_ =	sdelay $0x4  }
0xab: {  	v62 =	vand.u32 $0x7F, v0;
	v0 =	vshll.u32 v0, $0x1;
	v63 =	vshll.u32 v1, $0x1  }
0xac: {  	v1 =	vand.u32 $0x7F, v1;
	v0 =	vand.u32 $0xFFFFFF00, v0;
	v3 =	vand.u32 $0xFFFFFF00, v63  }
0xad: {  	v0 =	vor.u32 v62, v0;
	v1 =	vor.u32 v3, v1  }
0xae: {  	v1 =	vor.u32 $0x80, v1;
	_ =	sdelay $0x3  }
0xaf: {  	v0 =	vld.idx.msk [tilespmem:v0+s2+$0x0], $0xffff  }
0xb0: {  	v1 =	vld.idx.msk [tilespmem:v1+s2+$0x0], $0xffff;
	_ =	sdelay $0x4  }
0xb1: {  	v0 =	vadd.f32 v1, v0;
	_ =	sdelay $0x1  }
0xb2: {  	v0 =	vadd.f32 v0, v0;
	_ =	sdelay $0x1  }
0xb3: {  	v0 =	vmul.f32 $1.442695020e+00, v0;
	_ =	sdelay $0x1  }
0xb4: {  	(erf) = vpow2.f32 v0;
	_ =	sdelay $0x8  }
0xb5: {  	v0 =	vpop (erf)  }
0xb6: {  	v0 =	vadd.f32 $1.000000000e+00, v0;
	_ =	sdelay $0x1  }
0xb7: {  	(erf) = vrcp.f32 v0;
	_ =	sdelay $0x8  }
0xb8: {  	v0 =	vpop (erf)  }
0xb9: {  	v0 =	vadd.f32 v0, v0;
	_ =	sdelay $0x1  }
0xba: {  	s14 =	sadd.s32 $0x1, s14;
	v0 =	vsub.f32 $1.000000000e+00, v0  }
0xbb: {  	p0 =	sne.s32 s14, s7  }
.Ltmp1:
0xbc: {  	[tilespmem:$0xC700] =	vst v0;
	(pc) =	sbr.rel @p0 .LBB2_1-.Ltmp1, $4  }
0xbd: {  	[hbm4b:s6+s2] =	stream.linear.scatter [tilespmem:s12], [sflag:$0x2], $0x2710, $0x38;
	[tilespmem:$0xC780] =	vst v63  }
0xbe: {  	_ =	swait.ge [sflag:s13], $0x2710  }
0xbf: {  	[sflag:s13] =	ssyncset.done $0x0  }
0xc0: {  	[sflag:s13] =	ssyncadd.s32 $0xFFFFD8F0  }
0xc1: {  	_ =	sfence.sel $0x180000  }
0xc2: {  	[bflag:$0x0] =	sbarrier.arrive $0xFFFF  }
0xc3: {  	p0 =	sne.s32 s0, $0x0;
	_ =	strace $0x90000047  }
0xc4: {  	s0 =	sadd.s32 @!p0 $0x100000, s1;
	[bflag:$0x2] =	sbarrier.arrive $0xFFFF  }
0xc5: {  	[sflag:s0] =	ssyncadd.tile.s32 @!p0 $0x1;
	_ =	shalt  }
.Lfunc_end2:
_tile_overlayer_lowered:
.L_overlay_start_2:
0xc6: {  	(tag) =	ssettag $0x2  }
0xc7: {  	s0 =	rddreg [dreg:$0x0];
	s2 =	stileid.u32  }
0xc8: {  	s1 =	rddreg [dreg:$0x1];
	p0 =	sne.s32 s2, $0x0  }
0xc9: {  	s3 =	rddreg [dreg:$0x2];
	[bflag:$0x3] =	sbarrier.arrive $0xFFFF;
	s2 =	simm.s32 @!p0 $0x1C02  }
0xca: {  	[timem:s3], [sflag:s2] =	dma.local @!p0 [hbm:s0], s1  }
0xcb: {  	s0 =	simm.s32 @!p0 $0x2  }
0xcc: {  	_ =	swait.ge @!p0 [sflag:s0], s1  }
0xcd: {  	s1 =	ssub.s32 @!p0 $0x0, s1;
	[sflag:s0] =	ssyncset.done @!p0 $0x0  }
0xce: {  	[sflag:s0] =	ssyncadd.s32 @!p0 s1  }
0xcf: {  	[bflag:$0x3] =	sbarrier.arrive $0xFFFF  }
0xd0: {  	_ =	shalt  }

</sc_bundles>
